<compile_context>
chip_gen: v7x
topology: tpu7x:2x2x1
jax: 0.10.2.dev20260603
libtpu: 0.0.44.dev20260713+nightly
codegen_flags: <defaults>
</compile_context>

<pallas_src>
import functools
import jax
import jax.numpy as jnp
from jax import lax
from jax.experimental import pallas as pl
from jax.experimental.pallas import tpu as pltpu
from jax.experimental.pallas import tpu_sc as plsc

_T, _N, _D, _M = 2, 100, 128, 1024
_R = _T * _N
_MARGIN = 0.5

_NC, _NS, _L = 2, 16, 16
_NW = _NC * _NS
_ROWS_PER_W = 8
_RP = _NW * _ROWS_PER_W


def _l2n(x):
    return x / jnp.maximum(jnp.sqrt(jnp.sum(x * x, axis=-1, keepdims=True)), 1e-12)


def _tc_body(emb_ref, glo_ref, th_ref, k_ref, v_ref,
             nemb_ref, eg_ref, skv_ref, svk_ref, lk_ref, lv_ref):
    ne = _l2n(emb_ref[...])
    ng = _l2n(glo_ref[...])
    nemb_ref[...] = ne

    kmat = k_ref[...]
    vmat = v_ref[...]
    sim_kv = jax.lax.dot_general(ne, kmat, (((1,), (1,)), ((), ())),
                                 preferred_element_type=jnp.float32)
    sim_vk = jax.lax.dot_general(ng, vmat, (((1,), (1,)), ((), ())),
                                 preferred_element_type=jnp.float32)
    skv_ref[0:_R, :] = sim_kv
    skv_ref[_R:_RP, :] = jnp.zeros((_RP - _R, _M), jnp.float32)
    svk_ref[0:_R, :] = sim_vk
    svk_ref[_R:_RP, :] = jnp.zeros((_RP - _R, _M), jnp.float32)

    th0 = th_ref[0]
    th1 = th_ref[1]
    th2 = th_ref[2]
    th3 = th_ref[3]

    pos_score = jnp.where(sim_kv > th0, sim_kv, 0.0)
    eg = ng + jax.lax.dot_general(pos_score, vmat, (((1,), (0,)), ((), ())),
                                  preferred_element_type=jnp.float32)
    eg_ref[...] = _l2n(eg)

    iota = jax.lax.broadcasted_iota(jnp.int32, (_R, _M), 1)
    big = jnp.int32(2 ** 30)
    inf = jnp.float32(jnp.inf)

    def pair_contrib(src, other, thp, thn):
        mp = jnp.where(src > thp, src, inf)
        mn = jnp.where(src < thn, src, -inf)
        extp = jnp.min(mp, axis=1, keepdims=True)
        extn = jnp.max(mn, axis=1, keepdims=True)
        idxp = jnp.min(jnp.where(mp == extp, iota, big), axis=1, keepdims=True)
        idxn = jnp.min(jnp.where(mn == extn, iota, big), axis=1, keepdims=True)
        valp = jnp.sum(jnp.where(iota == idxp, other, 0.0), axis=1, keepdims=True)
        valn = jnp.sum(jnp.where(iota == idxn, other, 0.0), axis=1, keepdims=True)
        anyp = (extp != inf).astype(jnp.float32)
        anyn = (extn != -inf).astype(jnp.float32)
        return jnp.sum(anyp * valp - anyn * valn)

    lv_ref[0] = jnp.maximum(
        -pair_contrib(sim_kv, sim_vk, th0, th1) / _R + _MARGIN, 0.0)
    lk_ref[0] = jnp.maximum(
        -pair_contrib(sim_vk, sim_kv, th2, th3) / _R + _MARGIN, 0.0)


def _sc_loss_s(skv, svk):
    mesh = plsc.VectorSubcoreMesh(core_axis_name="c", subcore_axis_name="s")

    @functools.partial(
        pl.kernel, mesh=mesh,
        out_type=jax.ShapeDtypeStruct((_NW, _L), jnp.float32),
        scratch_types=[
            pltpu.VMEM((_ROWS_PER_W, _M), jnp.float32),
            pltpu.VMEM((_ROWS_PER_W, _M), jnp.float32),
            pltpu.VMEM((_L,), jnp.float32),
        ],
    )
    def k(skv_hbm, svk_hbm, out_hbm, a_v, b_v, acc_v):
        wid = lax.axis_index("s") * _NC + lax.axis_index("c")
        base = wid * _ROWS_PER_W
        pltpu.sync_copy(skv_hbm.at[pl.ds(base, _ROWS_PER_W)], a_v)
        pltpu.sync_copy(svk_hbm.at[pl.ds(base, _ROWS_PER_W)], b_v)

        def row_body(r, acc):
            def chunk_body(i, a2):
                a = a_v[r, pl.ds(i * _L, _L)]
                b = b_v[r, pl.ds(i * _L, _L)]
                d = b - a
                return a2 + d * d
            return lax.fori_loop(0, _M // _L, chunk_body, acc)

        acc_v[...] = lax.fori_loop(0, _ROWS_PER_W, row_body,
                                   jnp.zeros((_L,), jnp.float32))
        pltpu.sync_copy(acc_v, out_hbm.at[wid])

    partials = k(skv, svk)
    return jnp.sum(partials) / (_R * _M)


def kernel(emb_support, emb_query, glo_support, glo_query, thresh,
           memory_keys, memory_values):
    emb = jnp.concatenate([emb_support, emb_query], axis=1).reshape(_R, _D)
    glo = jnp.concatenate([glo_support, glo_query], axis=1).reshape(_R, _D)

    out_shape = (
        jax.ShapeDtypeStruct((_R, _D), jnp.float32),
        jax.ShapeDtypeStruct((_R, _D), jnp.float32),
        jax.ShapeDtypeStruct((_RP, _M), jnp.float32),
        jax.ShapeDtypeStruct((_RP, _M), jnp.float32),
        jax.ShapeDtypeStruct((1,), jnp.float32),
        jax.ShapeDtypeStruct((1,), jnp.float32),
    )
    vspec = pl.BlockSpec(memory_space=pltpu.VMEM)
    sspec = pl.BlockSpec(memory_space=pltpu.SMEM)
    in_specs = [vspec, vspec, sspec, vspec, vspec]
    out_specs = (vspec, vspec, vspec, vspec, sspec, sspec)
    ne, eg, skv, svk, lk, lv = pl.pallas_call(
        _tc_body,
        out_shape=out_shape,
        in_specs=in_specs,
        out_specs=out_specs,
    )(emb, glo, thresh, memory_keys, memory_values)

    ls = _sc_loss_s(skv, svk)

    return (ne.reshape(_T, _N, _D), eg.reshape(_T, _N, _D),
            lk[0], lv[0], ls)

# --- scband reference (transcript-rebuilt; emitter-appended) ---
"""Pipeline reference for scband-memory-55516747268372 (READ-ONLY COPY).

The authoritative reference and input builder live on the scoring server;
editing this copy changes nothing except your own understanding.
"""

import jax, jax.numpy as jnp
import numpy as np

MEM_SIZE = 1024
EMB_SIZE = 128
Q_V = 0.5
Q_K = 0.5
MARGIN = 0.5


def l2norm(x, axis=-1):
    return x / jnp.maximum(jnp.linalg.norm(x, axis=axis, keepdims=True), 1e-12)


def l1norm(x, axis=-1):
    return x / jnp.maximum(jnp.sum(jnp.abs(x), axis=axis, keepdims=True), 1e-12)


def compute_similarity(emb, mem):
    # cosine similarity of L2-normalized inputs: [t,n,d] x [M,d] -> [t,n,M]
    return jnp.einsum('tnd,md->tnm', emb, mem)


def find_idx(sim, th_pos, th_neg):
    pos_mask = sim > th_pos
    neg_mask = sim < th_neg
    pos_score = jnp.where(pos_mask, sim, 0.0)
    min_pos = jnp.argmin(jnp.where(pos_mask, sim, jnp.inf), axis=-1)
    max_neg = jnp.argmax(jnp.where(neg_mask, sim, -jnp.inf), axis=-1)
    pos_s = jnp.any(pos_mask, axis=-1).astype(jnp.float32)
    neg_s = -jnp.any(neg_mask, axis=-1).astype(jnp.float32)
    return min_pos, max_neg, pos_score, pos_s, neg_s


def compute_loss(a, b):
    # cosine alignment per row
    return jnp.sum(a * b, axis=-1)


def setup_inputs(seed: int = 0):
    key = jax.random.key(seed)
    ks = jax.random.split(key, 7)
    emb_support = jax.random.normal(ks[0], (2, 25, EMB_SIZE), dtype=jnp.float32)
    emb_query = jax.random.normal(ks[1], (2, 75, EMB_SIZE), dtype=jnp.float32)
    glo_support = jax.random.normal(ks[2], (2, 25, EMB_SIZE), dtype=jnp.float32)
    glo_query = jax.random.normal(ks[3], (2, 75, EMB_SIZE), dtype=jnp.float32)
    thresh = jax.random.uniform(ks[4], (4,), dtype=jnp.float32)
    memory_keys = l2norm(jax.random.uniform(ks[5], (MEM_SIZE, EMB_SIZE), dtype=jnp.float32))
    memory_values = l2norm(jax.random.uniform(ks[6], (MEM_SIZE, EMB_SIZE), dtype=jnp.float32))
    return {"emb_support": emb_support, "emb_query": emb_query, "glo_support": glo_support,
            "glo_query": glo_query, "thresh": thresh,
            "memory_keys": memory_keys, "memory_values": memory_values}


def reference(emb_support, emb_query, glo_support, glo_query, thresh, memory_keys, memory_values):
    norm_emb = l2norm(jnp.concatenate([emb_support, emb_query], axis=1))
    norm_glo = l2norm(jnp.concatenate([glo_support, glo_query], axis=1))

    # key->value path
    sim_kv = compute_similarity(norm_emb, memory_keys)
    min_pos, max_neg, pos_score, pos_s, neg_s = find_idx(sim_kv, thresh[0], thresh[1])
    min_pos_vec = jnp.take(memory_values, min_pos, axis=0)  # gather [t,n,d]
    max_neg_vec = jnp.take(memory_values, max_neg, axis=0)
    loss_v = jnp.maximum(-(pos_s * compute_loss(min_pos_vec, norm_glo)
                           + neg_s * compute_loss(max_neg_vec, norm_glo)).mean() + MARGIN, 0.0)
    w_v = l1norm(pos_score)[..., None]  # [t,n,M,1]
    memory_values_updated = l2norm(jnp.mean(
        l2norm((1.0 - w_v * (1.0 - Q_V)) * memory_values[None, None]
               + w_v * (1.0 - Q_V) * norm_glo[..., None, :]), axis=(0, 1)))

    # value->key path
    sim_vk = compute_similarity(norm_glo, memory_values)
    min_pos_k, max_neg_k, pos_score_k, pos_s_k, neg_s_k = find_idx(sim_vk, thresh[2], thresh[3])
    min_pos_vec_k = jnp.take(memory_keys, min_pos_k, axis=0)
    max_neg_vec_k = jnp.take(memory_keys, max_neg_k, axis=0)
    loss_k = jnp.maximum(-(pos_s_k * compute_loss(min_pos_vec_k, norm_emb)
                           + neg_s_k * compute_loss(max_neg_vec_k, norm_emb)).mean() + MARGIN, 0.0)

    t, n, m = pos_score_k.shape
    am = jnp.argmax(pos_score_k, axis=-1)
    oh = jnp.zeros_like(pos_score_k).at[jnp.arange(t)[:, None], jnp.arange(n)[None, :], am].set(1.0)  # scatter-overwrite
    psk = oh * pos_score_k
    psk = jnp.where(psk > 0, 1.0, 0.0)[..., None]
    memory_keys_updated = l2norm(jnp.mean(
        l2norm((1.0 - psk * (1.0 - Q_K)) * memory_keys[None, None]
               + psk * (1.0 - Q_K) * norm_emb[..., None, :]), axis=(0, 1)))

    embedding_global = l2norm(norm_glo + jnp.sum(pos_score[..., None] * memory_values[None, None], axis=-2))

    loss_s = jnp.mean((sim_vk - sim_kv) ** 2)

    # in-place state writes in torch (self.memory_keys.data / self.memory_values.data);
    # computed here for fidelity but not part of the returned output
    _ = (memory_keys_updated, memory_values_updated)

    return (norm_emb, embedding_global, loss_k, loss_v, loss_s)

if __name__ == "__main__":
    import jax
    _d = setup_inputs()
    print(jax.jit(kernel)(*tuple(_d.values())))

</pallas_src>

<mosaic_0001>
#map = affine_map<(d0, d1) -> (0, 0)>
module attributes {stable_mosaic.version = 14 : i64} {
  func.func @k(%arg0: i32, %arg1: i32, %arg2: memref<256x1024xf32, #tpu.memory_space<hbm>>, %arg3: memref<256x1024xf32, #tpu.memory_space<hbm>>, %arg4: memref<32x16xf32, #tpu.memory_space<hbm>>, %arg5: memref<8x1024xf32, #tpu.memory_space<vmem>>, %arg6: memref<8x1024xf32, #tpu.memory_space<vmem>>, %arg7: memref<16xf32, #tpu.memory_space<vmem>>) attributes {dimension_semantics = [#tpu.dimension_semantics<core_parallel>, #tpu.dimension_semantics<subcore_parallel>], iteration_bounds = array<i64: 2, 16>, scalar_prefetch = 0 : i64, scratch_operands = 3 : i64, tpu.core_type = #tpu.core_type<sc_vector_subcore>, window_params = [{transform_indices = #map}, {transform_indices = #map}, {transform_indices = #map}]} {
    %mul3A = arith.constant 2 : i32
    %mul3A_0 = arith.muli %arg1, %mul3A : i32
    %add3A = arith.addi %mul3A_0, %arg0 : i32
    %mul3A_1 = arith.constant 8 : i32
    %mul3A_2 = arith.muli %add3A, %mul3A_1 : i32
    "tpu.region"() ({
      %run_scoped3A = tpu.sem_alloc : memref<!tpu.dma_semaphore, #tpu.memory_space<semaphore_mem>>
      %dma_start3A = arith.constant 0 : i32
      %dma_start3A_12 = tpu.memref_slice %arg2[%mul3A_2, %dma_start3A] : memref<256x1024xf32, #tpu.memory_space<hbm>> -> memref<8x1024xf32, #tpu.memory_space<hbm>>
      %dma_start3A_13 = arith.constant 0 : i32
      %dma_start3A_14 = tpu.memref_slice %arg2[%mul3A_2, %dma_start3A_13] : memref<256x1024xf32, #tpu.memory_space<hbm>> -> memref<8x1024xf32, #tpu.memory_space<hbm>>
      tpu.enqueue_dma source(%dma_start3A_14 : memref<8x1024xf32, #tpu.memory_space<hbm>>) target(%arg5 : memref<8x1024xf32, #tpu.memory_space<vmem>>) target_semaphore(%run_scoped3A : memref<!tpu.dma_semaphore, #tpu.memory_space<semaphore_mem>>)
      %dma_wait3A = arith.constant 0 : i32
      %dma_wait3A_15 = tpu.memref_slice %arg2[%mul3A_2, %dma_wait3A] : memref<256x1024xf32, #tpu.memory_space<hbm>> -> memref<8x1024xf32, #tpu.memory_space<hbm>>
      %dma_wait3A_16 = arith.constant 0 : i32
      %dma_wait3A_17 = tpu.memref_slice %arg2[%mul3A_2, %dma_wait3A_16] : memref<256x1024xf32, #tpu.memory_space<hbm>> -> memref<8x1024xf32, #tpu.memory_space<hbm>>
      tpu.wait_dma2 semaphore(%run_scoped3A : memref<!tpu.dma_semaphore, #tpu.memory_space<semaphore_mem>>) src(%dma_wait3A_17 : memref<8x1024xf32, #tpu.memory_space<hbm>>) dst(%arg5 : memref<8x1024xf32, #tpu.memory_space<vmem>>)
      tpu.yield
    }) : () -> ()
    "tpu.region"() ({
      %run_scoped3A = tpu.sem_alloc : memref<!tpu.dma_semaphore, #tpu.memory_space<semaphore_mem>>
      %dma_start3A = arith.constant 0 : i32
      %dma_start3A_12 = tpu.memref_slice %arg3[%mul3A_2, %dma_start3A] : memref<256x1024xf32, #tpu.memory_space<hbm>> -> memref<8x1024xf32, #tpu.memory_space<hbm>>
      %dma_start3A_13 = arith.constant 0 : i32
      %dma_start3A_14 = tpu.memref_slice %arg3[%mul3A_2, %dma_start3A_13] : memref<256x1024xf32, #tpu.memory_space<hbm>> -> memref<8x1024xf32, #tpu.memory_space<hbm>>
      tpu.enqueue_dma source(%dma_start3A_14 : memref<8x1024xf32, #tpu.memory_space<hbm>>) target(%arg6 : memref<8x1024xf32, #tpu.memory_space<vmem>>) target_semaphore(%run_scoped3A : memref<!tpu.dma_semaphore, #tpu.memory_space<semaphore_mem>>)
      %dma_wait3A = arith.constant 0 : i32
      %dma_wait3A_15 = tpu.memref_slice %arg3[%mul3A_2, %dma_wait3A] : memref<256x1024xf32, #tpu.memory_space<hbm>> -> memref<8x1024xf32, #tpu.memory_space<hbm>>
      %dma_wait3A_16 = arith.constant 0 : i32
      %dma_wait3A_17 = tpu.memref_slice %arg3[%mul3A_2, %dma_wait3A_16] : memref<256x1024xf32, #tpu.memory_space<hbm>> -> memref<8x1024xf32, #tpu.memory_space<hbm>>
      tpu.wait_dma2 semaphore(%run_scoped3A : memref<!tpu.dma_semaphore, #tpu.memory_space<semaphore_mem>>) src(%dma_wait3A_17 : memref<8x1024xf32, #tpu.memory_space<hbm>>) dst(%arg6 : memref<8x1024xf32, #tpu.memory_space<vmem>>)
      tpu.yield
    }) : () -> ()
    %broadcast_in_dim3A = arith.constant 0.000000e+00 : f32
    %broadcast_in_dim3A_3 = vector.broadcast %broadcast_in_dim3A : f32 to vector<16xf32>
    %scan3A = arith.constant 0 : i32
    %scan3A_4 = arith.constant 8 : i32
    %scan3A_5 = arith.addi %scan3A, %scan3A_4 : i32
    %scan3A_6 = arith.constant 1 : i32
    %scan3A_7 = scf.for %scan3A_12 = %scan3A to %scan3A_5 step %scan3A_6 iter_args(%scan3A_13 = %broadcast_in_dim3A_3) -> (vector<16xf32>)  : i32 {
      %scan3A_14 = arith.constant 0 : i32
      %scan3A_15 = arith.constant 64 : i32
      %scan3A_16 = arith.addi %scan3A_14, %scan3A_15 : i32
      %scan3A_17 = arith.constant 1 : i32
      %scan3A_18 = scf.for %scan3A_20 = %scan3A_14 to %scan3A_16 step %scan3A_17 iter_args(%scan3A_21 = %scan3A_13) -> (vector<16xf32>)  : i32 {
        %mul3A_22 = arith.constant 16 : i32
        %mul3A_23 = arith.muli %scan3A_20, %mul3A_22 : i32
        %get3A = arith.index_cast %scan3A_12 : i32 to index
        %get3A_24 = arith.index_cast %mul3A_23 : i32 to index
        %get3A_25 = tpu.vector_load %arg5[%get3A, %get3A_24] {strides = array<i32>} : memref<8x1024xf32, #tpu.memory_space<vmem>>, vector<1x16xf32>,
        %get3A_26 = vector.shape_cast %get3A_25 : vector<1x16xf32> to vector<16xf32>
        %mul3A_27 = arith.constant 16 : i32
        %mul3A_28 = arith.muli %scan3A_20, %mul3A_27 : i32
        %get3A_29 = arith.index_cast %scan3A_12 : i32 to index
        %get3A_30 = arith.index_cast %mul3A_28 : i32 to index
        %get3A_31 = tpu.vector_load %arg6[%get3A_29, %get3A_30] {strides = array<i32>} : memref<8x1024xf32, #tpu.memory_space<vmem>>, vector<1x16xf32>,
        %get3A_32 = vector.shape_cast %get3A_31 : vector<1x16xf32> to vector<16xf32>
        %sub3A = arith.subf %get3A_32, %get3A_26 : vector<16xf32>
        %mul3A_33 = arith.mulf %sub3A, %sub3A : vector<16xf32>
        %add3A_34 = arith.addf %scan3A_21, %mul3A_33 : vector<16xf32>
        scf.yield %add3A_34 : vector<16xf32>
      }
      %scan3A_19 = arith.constant 64 : i32
      scf.yield %scan3A_18 : vector<16xf32>
    }
    %scan3A_8 = arith.constant 8 : i32
    %swap3A = arith.constant 0 : index
    %swap3A_9 = tpu.vector_load %arg7[%swap3A] {strides = array<i32>} : memref<16xf32, #tpu.memory_space<vmem>>, vector<16xf32>,
    %swap3A_10 = vector.shape_cast %swap3A_9 : vector<16xf32> to vector<16xf32>
    %swap3A_11 = vector.shape_cast %scan3A_7 : vector<16xf32> to vector<16xf32>
    tpu.vector_store %arg7[%swap3A], %swap3A_11 {strides = array<i32>} : memref<16xf32, #tpu.memory_space<vmem>>, vector<16xf32>,
    "tpu.region"() ({
      %run_scoped3A = tpu.sem_alloc : memref<!tpu.dma_semaphore, #tpu.memory_space<semaphore_mem>>
      %dma_start3A = arith.constant 0 : i32
      %dma_start3A_12 = tpu.memref_slice %arg4[%add3A, %dma_start3A] : memref<32x16xf32, #tpu.memory_space<hbm>> -> memref<1x16xf32, #tpu.memory_space<hbm>>
      %dma_start3A_13 = tpu.memref_squeeze %dma_start3A_12 : memref<1x16xf32, #tpu.memory_space<hbm>> -> memref<16xf32, #tpu.memory_space<hbm>>
      %dma_start3A_14 = arith.constant 0 : i32
      %dma_start3A_15 = tpu.memref_slice %arg4[%add3A, %dma_start3A_14] : memref<32x16xf32, #tpu.memory_space<hbm>> -> memref<1x16xf32, #tpu.memory_space<hbm>>
      %dma_start3A_16 = tpu.memref_squeeze %dma_start3A_15 : memref<1x16xf32, #tpu.memory_space<hbm>> -> memref<16xf32, #tpu.memory_space<hbm>>
      tpu.enqueue_dma source(%arg7 : memref<16xf32, #tpu.memory_space<vmem>>) target(%dma_start3A_16 : memref<16xf32, #tpu.memory_space<hbm>>) target_semaphore(%run_scoped3A : memref<!tpu.dma_semaphore, #tpu.memory_space<semaphore_mem>>)
      %dma_wait3A = arith.constant 0 : i32
      %dma_wait3A_17 = tpu.memref_slice %arg4[%add3A, %dma_wait3A] : memref<32x16xf32, #tpu.memory_space<hbm>> -> memref<1x16xf32, #tpu.memory_space<hbm>>
      %dma_wait3A_18 = tpu.memref_squeeze %dma_wait3A_17 : memref<1x16xf32, #tpu.memory_space<hbm>> -> memref<16xf32, #tpu.memory_space<hbm>>
      %dma_wait3A_19 = arith.constant 0 : i32
      %dma_wait3A_20 = tpu.memref_slice %arg4[%add3A, %dma_wait3A_19] : memref<32x16xf32, #tpu.memory_space<hbm>> -> memref<1x16xf32, #tpu.memory_space<hbm>>
      %dma_wait3A_21 = tpu.memref_squeeze %dma_wait3A_20 : memref<1x16xf32, #tpu.memory_space<hbm>> -> memref<16xf32, #tpu.memory_space<hbm>>
      tpu.wait_dma2 semaphore(%run_scoped3A : memref<!tpu.dma_semaphore, #tpu.memory_space<semaphore_mem>>) src(%arg7 : memref<16xf32, #tpu.memory_space<vmem>>) dst(%dma_wait3A_21 : memref<16xf32, #tpu.memory_space<hbm>>)
      tpu.yield
    }) : () -> ()
    return
  }
}

module attributes {stable_mosaic.version = 14 : i64} {
  func.func @_tc_body(%arg0: memref<200x128xf32, #tpu.memory_space<vmem>>, %arg1: memref<200x128xf32, #tpu.memory_space<vmem>>, %arg2: memref<4xf32, #tpu.memory_space<smem>>, %arg3: memref<1024x128xf32, #tpu.memory_space<vmem>>, %arg4: memref<1024x128xf32, #tpu.memory_space<vmem>>, %arg5: memref<200x128xf32, #tpu.memory_space<vmem>>, %arg6: memref<200x128xf32, #tpu.memory_space<vmem>>, %arg7: memref<256x1024xf32, #tpu.memory_space<vmem>>, %arg8: memref<256x1024xf32, #tpu.memory_space<vmem>>, %arg9: memref<1xf32, #tpu.memory_space<smem>>, %arg10: memref<1xf32, #tpu.memory_space<smem>>) attributes {dimension_semantics = [], scalar_prefetch = 0 : i64, scratch_operands = 0 : i64, tpu.core_type = #tpu.core_type<tc>} {
    %get3A = arith.constant 0 : index
    %get3A_0 = arith.constant 0 : index
    %get3A_1 = vector.load %arg0[%get3A, %get3A_0] : memref<200x128xf32, #tpu.memory_space<vmem>>, vector<200x128xf32>
    %mul3A = arith.mulf %get3A_1, %get3A_1 : vector<200x128xf32>
    %reduce_sum3A = arith.constant dense<0.000000e+00> : vector<200xf32>
    %reduce_sum3A_2 = vector.multi_reduction <add>, %mul3A, %reduce_sum3A [1] : vector<200x128xf32> to vector<200xf32>
    %broadcast_in_dim3A = vector.shape_cast %reduce_sum3A_2 : vector<200xf32> to vector<200x1xf32>
    %sqrt3A = math.sqrt %broadcast_in_dim3A : vector<200x1xf32>
    %max3A = arith.constant 9.99999996E-13 : f32
    %max3A_3 = vector.broadcast %max3A : f32 to vector<200x1xf32>
    %max3A_4 = arith.maximumf %sqrt3A, %max3A_3 : vector<200x1xf32>
    %div3A = vector.broadcast %max3A_4 : vector<200x1xf32> to vector<200x128xf32>
    %div3A_5 = arith.divf %get3A_1, %div3A : vector<200x128xf32>
    %get3A_6 = arith.constant 0 : index
    %get3A_7 = arith.constant 0 : index
    %get3A_8 = vector.load %arg1[%get3A_6, %get3A_7] : memref<200x128xf32, #tpu.memory_space<vmem>>, vector<200x128xf32>
    %mul3A_9 = arith.mulf %get3A_8, %get3A_8 : vector<200x128xf32>
    %reduce_sum3A_10 = arith.constant dense<0.000000e+00> : vector<200xf32>
    %reduce_sum3A_11 = vector.multi_reduction <add>, %mul3A_9, %reduce_sum3A_10 [1] : vector<200x128xf32> to vector<200xf32>
    %broadcast_in_dim3A_12 = vector.shape_cast %reduce_sum3A_11 : vector<200xf32> to vector<200x1xf32>
    %sqrt3A_13 = math.sqrt %broadcast_in_dim3A_12 : vector<200x1xf32>
    %max3A_14 = arith.constant 9.99999996E-13 : f32
    %max3A_15 = vector.broadcast %max3A_14 : f32 to vector<200x1xf32>
    %max3A_16 = arith.maximumf %sqrt3A_13, %max3A_15 : vector<200x1xf32>
    %div3A_17 = vector.broadcast %max3A_16 : vector<200x1xf32> to vector<200x128xf32>
    %div3A_18 = arith.divf %get3A_8, %div3A_17 : vector<200x128xf32>
    %swap3A = arith.constant 0 : index
    %swap3A_19 = arith.constant 0 : index
    %swap3A_20 = vector.load %arg5[%swap3A, %swap3A_19] : memref<200x128xf32, #tpu.memory_space<vmem>>, vector<200x128xf32>
    tpu.vector_store %arg5[%swap3A, %swap3A_19], %div3A_5 {strides = array<i32>} : memref<200x128xf32, #tpu.memory_space<vmem>>, vector<200x128xf32>,
    %get3A_21 = arith.constant 0 : index
    %get3A_22 = arith.constant 0 : index
    %get3A_23 = vector.load %arg3[%get3A_21, %get3A_22] : memref<1024x128xf32, #tpu.memory_space<vmem>>, vector<1024x128xf32>
    %get3A_24 = arith.constant 0 : index
    %get3A_25 = arith.constant 0 : index
    %get3A_26 = vector.load %arg4[%get3A_24, %get3A_25] : memref<1024x128xf32, #tpu.memory_space<vmem>>, vector<1024x128xf32>
    %dot_general3A = arith.constant dense<0.000000e+00> : vector<200x1024xf32>
    %dot_general3A_27 = tpu.matmul %div3A_5, %get3A_23, %dot_general3A {dimension_numbers = #tpu.dot_dimension_numbers<[1], [1], [0], [0], [0, 0, 1, 0], [], []>, transpose_lhs_hint = false} : vector<200x128xf32>, vector<1024x128xf32>, vector<200x1024xf32> -> vector<200x1024xf32>
    %dot_general3A_28 = arith.constant dense<0.000000e+00> : vector<200x1024xf32>
    %dot_general3A_29 = tpu.matmul %div3A_18, %get3A_26, %dot_general3A_28 {dimension_numbers = #tpu.dot_dimension_numbers<[1], [1], [0], [0], [0, 0, 1, 0], [], []>, transpose_lhs_hint = false} : vector<200x128xf32>, vector<1024x128xf32>, vector<200x1024xf32> -> vector<200x1024xf32>
    %swap3A_30 = arith.constant 0 : index
    %swap3A_31 = arith.constant 0 : index
    %swap3A_32 = vector.load %arg7[%swap3A_30, %swap3A_31] : memref<256x1024xf32, #tpu.memory_space<vmem>>, vector<200x1024xf32>
    tpu.vector_store %arg7[%swap3A_30, %swap3A_31], %dot_general3A_27 {strides = array<i32>} : memref<256x1024xf32, #tpu.memory_space<vmem>>, vector<200x1024xf32>,
    %broadcast_in_dim3A_33 = arith.constant 0.000000e+00 : f32
    %broadcast_in_dim3A_34 = vector.broadcast %broadcast_in_dim3A_33 : f32 to vector<56x1024xf32>
    %swap3A_35 = arith.constant 200 : index
    %swap3A_36 = arith.constant 0 : index
    %swap3A_37 = vector.load %arg7[%swap3A_35, %swap3A_36] : memref<256x1024xf32, #tpu.memory_space<vmem>>, vector<56x1024xf32>
    tpu.vector_store %arg7[%swap3A_35, %swap3A_36], %broadcast_in_dim3A_34 {strides = array<i32>} : memref<256x1024xf32, #tpu.memory_space<vmem>>, vector<56x1024xf32>,
    %swap3A_38 = arith.constant 0 : index
    %swap3A_39 = arith.constant 0 : index
    %swap3A_40 = vector.load %arg8[%swap3A_38, %swap3A_39] : memref<256x1024xf32, #tpu.memory_space<vmem>>, vector<200x1024xf32>
    tpu.vector_store %arg8[%swap3A_38, %swap3A_39], %dot_general3A_29 {strides = array<i32>} : memref<256x1024xf32, #tpu.memory_space<vmem>>, vector<200x1024xf32>,
    %broadcast_in_dim3A_41 = arith.constant 0.000000e+00 : f32
    %broadcast_in_dim3A_42 = vector.broadcast %broadcast_in_dim3A_41 : f32 to vector<56x1024xf32>
    %swap3A_43 = arith.constant 200 : index
    %swap3A_44 = arith.constant 0 : index
    %swap3A_45 = vector.load %arg8[%swap3A_43, %swap3A_44] : memref<256x1024xf32, #tpu.memory_space<vmem>>, vector<56x1024xf32>
    tpu.vector_store %arg8[%swap3A_43, %swap3A_44], %broadcast_in_dim3A_42 {strides = array<i32>} : memref<256x1024xf32, #tpu.memory_space<vmem>>, vector<56x1024xf32>,
    %get3A_46 = arith.constant 0 : index
    %get3A_47 = memref.load %arg2[%get3A_46] : memref<4xf32, #tpu.memory_space<smem>>
    %get3A_48 = arith.constant 1 : index
    %get3A_49 = memref.load %arg2[%get3A_48] : memref<4xf32, #tpu.memory_space<smem>>
    %get3A_50 = arith.constant 2 : index
    %get3A_51 = memref.load %arg2[%get3A_50] : memref<4xf32, #tpu.memory_space<smem>>
    %get3A_52 = arith.constant 3 : index
    %get3A_53 = memref.load %arg2[%get3A_52] : memref<4xf32, #tpu.memory_space<smem>>
    %gt3A = vector.broadcast %get3A_47 : f32 to vector<200x1024xf32>
    %gt3A_54 = arith.cmpf ogt, %dot_general3A_27, %gt3A : vector<200x1024xf32>
    %jit3A = arith.constant 0.000000e+00 : f32
    %broadcast_in_dim3A_55 = vector.broadcast %jit3A : f32 to vector<200x1024xf32>
    %select_n3A = arith.select %gt3A_54, %dot_general3A_27, %broadcast_in_dim3A_55 : vector<200x1024xi1>, vector<200x1024xf32>
    %dot_general3A_56 = arith.constant dense<0.000000e+00> : vector<200x128xf32>
    %dot_general3A_57 = tpu.matmul %select_n3A, %get3A_26, %dot_general3A_56 {dimension_numbers = #tpu.dot_dimension_numbers<[1], [0], [0], [1], [0, 0, 1, 1], [], []>, transpose_lhs_hint = false} : vector<200x1024xf32>, vector<1024x128xf32>, vector<200x128xf32> -> vector<200x128xf32>
    %add3A = arith.addf %div3A_18, %dot_general3A_57 : vector<200x128xf32>
    %mul3A_58 = arith.mulf %add3A, %add3A : vector<200x128xf32>
    %reduce_sum3A_59 = arith.constant dense<0.000000e+00> : vector<200xf32>
    %reduce_sum3A_60 = vector.multi_reduction <add>, %mul3A_58, %reduce_sum3A_59 [1] : vector<200x128xf32> to vector<200xf32>
    %broadcast_in_dim3A_61 = vector.shape_cast %reduce_sum3A_60 : vector<200xf32> to vector<200x1xf32>
    %sqrt3A_62 = math.sqrt %broadcast_in_dim3A_61 : vector<200x1xf32>
    %max3A_63 = arith.constant 9.99999996E-13 : f32
    %max3A_64 = vector.broadcast %max3A_63 : f32 to vector<200x1xf32>
    %max3A_65 = arith.maximumf %sqrt3A_62, %max3A_64 : vector<200x1xf32>
    %div3A_66 = vector.broadcast %max3A_65 : vector<200x1xf32> to vector<200x128xf32>
    %div3A_67 = arith.divf %add3A, %div3A_66 : vector<200x128xf32>
    %swap3A_68 = arith.constant 0 : index
    %swap3A_69 = arith.constant 0 : index
    %swap3A_70 = vector.load %arg6[%swap3A_68, %swap3A_69] : memref<200x128xf32, #tpu.memory_space<vmem>>, vector<200x128xf32>
    tpu.vector_store %arg6[%swap3A_68, %swap3A_69], %div3A_67 {strides = array<i32>} : memref<200x128xf32, #tpu.memory_space<vmem>>, vector<200x128xf32>,
    %iota3A = tpu.iota {dimensions = array<i32: 1>} : vector<200x1024xi32>
    %gt3A_71 = vector.broadcast %get3A_47 : f32 to vector<200x1024xf32>
    %gt3A_72 = arith.cmpf ogt, %dot_general3A_27, %gt3A_71 : vector<200x1024xf32>
    %jit3A_73 = arith.constant 0x7F800000 : f32
    %broadcast_in_dim3A_74 = vector.broadcast %jit3A_73 : f32 to vector<200x1024xf32>
    %select_n3A_75 = arith.select %gt3A_72, %dot_general3A_27, %broadcast_in_dim3A_74 : vector<200x1024xi1>, vector<200x1024xf32>
    %lt3A = vector.broadcast %get3A_49 : f32 to vector<200x1024xf32>
    %lt3A_76 = arith.cmpf olt, %dot_general3A_27, %lt3A : vector<200x1024xf32>
    %neg3A = arith.constant 0.000000e+00 : f32
    %neg3A_77 = arith.constant 0x7F800000 : f32
    %neg3A_78 = arith.subf %neg3A, %neg3A_77 : f32
    %broadcast_in_dim3A_79 = vector.broadcast %neg3A_78 : f32 to vector<200x1024xf32>
    %select_n3A_80 = arith.select %lt3A_76, %dot_general3A_27, %broadcast_in_dim3A_79 : vector<200x1024xi1>, vector<200x1024xf32>
    %reduce_min3A = arith.constant dense<0x7F800000> : vector<200xf32>
    %reduce_min3A_81 = vector.multi_reduction <minimumf>, %select_n3A_75, %reduce_min3A [1] : vector<200x1024xf32> to vector<200xf32>
    %broadcast_in_dim3A_82 = vector.shape_cast %reduce_min3A_81 : vector<200xf32> to vector<200x1xf32>
    %reduce_max3A = arith.constant dense<0xFF800000> : vector<200xf32>
    %reduce_max3A_83 = vector.multi_reduction <maximumf>, %select_n3A_80, %reduce_max3A [1] : vector<200x1024xf32> to vector<200xf32>
    %broadcast_in_dim3A_84 = vector.shape_cast %reduce_max3A_83 : vector<200xf32> to vector<200x1xf32>
    %eq3A = vector.broadcast %broadcast_in_dim3A_82 : vector<200x1xf32> to vector<200x1024xf32>
    %eq3A_85 = arith.cmpf oeq, %select_n3A_75, %eq3A : vector<200x1024xf32>
    %jit3A_86 = arith.constant 1073741824 : i32
    %broadcast_in_dim3A_87 = vector.broadcast %jit3A_86 : i32 to vector<200x1024xi32>
    %select_n3A_88 = arith.select %eq3A_85, %iota3A, %broadcast_in_dim3A_87 : vector<200x1024xi1>, vector<200x1024xi32>
    %reduce_min3A_89 = arith.constant dense<2147483647> : vector<200xi32>
    %reduce_min3A_90 = vector.multi_reduction <minsi>, %select_n3A_88, %reduce_min3A_89 [1] : vector<200x1024xi32> to vector<200xi32>
    %broadcast_in_dim3A_91 = vector.shape_cast %reduce_min3A_90 : vector<200xi32> to vector<200x1xi32>
    %eq3A_92 = vector.broadcast %broadcast_in_dim3A_84 : vector<200x1xf32> to vector<200x1024xf32>
    %eq3A_93 = arith.cmpf oeq, %select_n3A_80, %eq3A_92 : vector<200x1024xf32>
    %jit3A_94 = arith.constant 1073741824 : i32
    %broadcast_in_dim3A_95 = vector.broadcast %jit3A_94 : i32 to vector<200x1024xi32>
    %select_n3A_96 = arith.select %eq3A_93, %iota3A, %broadcast_in_dim3A_95 : vector<200x1024xi1>, vector<200x1024xi32>
    %reduce_min3A_97 = arith.constant dense<2147483647> : vector<200xi32>
    %reduce_min3A_98 = vector.multi_reduction <minsi>, %select_n3A_96, %reduce_min3A_97 [1] : vector<200x1024xi32> to vector<200xi32>
    %broadcast_in_dim3A_99 = vector.shape_cast %reduce_min3A_98 : vector<200xi32> to vector<200x1xi32>
    %eq3A_100 = vector.broadcast %broadcast_in_dim3A_91 : vector<200x1xi32> to vector<200x1024xi32>
    %eq3A_101 = arith.cmpi eq, %iota3A, %eq3A_100 : vector<200x1024xi32>
    %jit3A_102 = arith.constant 0.000000e+00 : f32
    %broadcast_in_dim3A_103 = vector.broadcast %jit3A_102 : f32 to vector<200x1024xf32>
    %select_n3A_104 = arith.select %eq3A_101, %dot_general3A_29, %broadcast_in_dim3A_103 : vector<200x1024xi1>, vector<200x1024xf32>
    %reduce_sum3A_105 = arith.constant dense<0.000000e+00> : vector<200xf32>
    %reduce_sum3A_106 = vector.multi_reduction <add>, %select_n3A_104, %reduce_sum3A_105 [1] : vector<200x1024xf32> to vector<200xf32>
    %broadcast_in_dim3A_107 = vector.shape_cast %reduce_sum3A_106 : vector<200xf32> to vector<200x1xf32>
    %eq3A_108 = vector.broadcast %broadcast_in_dim3A_99 : vector<200x1xi32> to vector<200x1024xi32>
    %eq3A_109 = arith.cmpi eq, %iota3A, %eq3A_108 : vector<200x1024xi32>
    %jit3A_110 = arith.constant 0.000000e+00 : f32
    %broadcast_in_dim3A_111 = vector.broadcast %jit3A_110 : f32 to vector<200x1024xf32>
    %select_n3A_112 = arith.select %eq3A_109, %dot_general3A_29, %broadcast_in_dim3A_111 : vector<200x1024xi1>, vector<200x1024xf32>
    %reduce_sum3A_113 = arith.constant dense<0.000000e+00> : vector<200xf32>
    %reduce_sum3A_114 = vector.multi_reduction <add>, %select_n3A_112, %reduce_sum3A_113 [1] : vector<200x1024xf32> to vector<200xf32>
    %broadcast_in_dim3A_115 = vector.shape_cast %reduce_sum3A_114 : vector<200xf32> to vector<200x1xf32>
    %ne3A = arith.constant 0x7F800000 : f32
    %ne3A_116 = vector.broadcast %ne3A : f32 to vector<200x1xf32>
    %ne3A_117 = arith.cmpf one, %broadcast_in_dim3A_82, %ne3A_116 : vector<200x1xf32>
    %convert_element_type3A = arith.extui %ne3A_117 : vector<200x1xi1> to vector<200x1xi32>
    %convert_element_type3A_118 = arith.sitofp %convert_element_type3A : vector<200x1xi32> to vector<200x1xf32>
    %neg3A_119 = arith.constant 0.000000e+00 : f32
    %neg3A_120 = arith.constant 0x7F800000 : f32
    %neg3A_121 = arith.subf %neg3A_119, %neg3A_120 : f32
    %ne3A_122 = vector.broadcast %neg3A_121 : f32 to vector<200x1xf32>
    %ne3A_123 = arith.cmpf one, %broadcast_in_dim3A_84, %ne3A_122 : vector<200x1xf32>
    %convert_element_type3A_124 = arith.extui %ne3A_123 : vector<200x1xi1> to vector<200x1xi32>
    %convert_element_type3A_125 = arith.sitofp %convert_element_type3A_124 : vector<200x1xi32> to vector<200x1xf32>
    %mul3A_126 = arith.mulf %convert_element_type3A_118, %broadcast_in_dim3A_107 : vector<200x1xf32>
    %mul3A_127 = arith.mulf %convert_element_type3A_125, %broadcast_in_dim3A_115 : vector<200x1xf32>
    %sub3A = arith.subf %mul3A_126, %mul3A_127 : vector<200x1xf32>
    %reduce_sum3A_128 = vector.shape_cast %sub3A : vector<200x1xf32> to vector<1x200x1xf32>
    %reduce_sum3A_129 = arith.constant dense<0.000000e+00> : vector<1xf32>
    %reduce_sum3A_130 = vector.multi_reduction <add>, %reduce_sum3A_128, %reduce_sum3A_129 [1, 2] : vector<1x200x1xf32> to vector<1xf32>
    %reduce_sum3A_131 = vector.shape_cast %reduce_sum3A_130 : vector<1xf32> to vector<1x1x1xf32>
    %reduce_sum3A_132 = vector.extract %reduce_sum3A_131[0, 0, 0] : f32 from vector<1x1x1xf32>
    %neg3A_133 = arith.constant 0.000000e+00 : f32
    %neg3A_134 = arith.subf %neg3A_133, %reduce_sum3A_132 : f32
    %div3A_135 = arith.constant 2.000000e+02 : f32
    %div3A_136 = arith.divf %neg3A_134, %div3A_135 : f32
    %add3A_137 = arith.constant 5.000000e-01 : f32
    %add3A_138 = arith.addf %div3A_136, %add3A_137 : f32
    %max3A_139 = arith.constant 0.000000e+00 : f32
    %max3A_140 = arith.maximumf %add3A_138, %max3A_139 : f32
    %swap3A_141 = arith.constant 0 : index
    %swap3A_142 = memref.load %arg10[%swap3A_141] : memref<1xf32, #tpu.memory_space<smem>>
    memref.store %max3A_140, %arg10[%swap3A_141] : memref<1xf32, #tpu.memory_space<smem>>
    %gt3A_143 = vector.broadcast %get3A_51 : f32 to vector<200x1024xf32>
    %gt3A_144 = arith.cmpf ogt, %dot_general3A_29, %gt3A_143 : vector<200x1024xf32>
    %jit3A_145 = arith.constant 0x7F800000 : f32
    %broadcast_in_dim3A_146 = vector.broadcast %jit3A_145 : f32 to vector<200x1024xf32>
    %select_n3A_147 = arith.select %gt3A_144, %dot_general3A_29, %broadcast_in_dim3A_146 : vector<200x1024xi1>, vector<200x1024xf32>
    %lt3A_148 = vector.broadcast %get3A_53 : f32 to vector<200x1024xf32>
    %lt3A_149 = arith.cmpf olt, %dot_general3A_29, %lt3A_148 : vector<200x1024xf32>
    %neg3A_150 = arith.constant 0.000000e+00 : f32
    %neg3A_151 = arith.constant 0x7F800000 : f32
    %neg3A_152 = arith.subf %neg3A_150, %neg3A_151 : f32
    %broadcast_in_dim3A_153 = vector.broadcast %neg3A_152 : f32 to vector<200x1024xf32>
    %select_n3A_154 = arith.select %lt3A_149, %dot_general3A_29, %broadcast_in_dim3A_153 : vector<200x1024xi1>, vector<200x1024xf32>
    %reduce_min3A_155 = arith.constant dense<0x7F800000> : vector<200xf32>
    %reduce_min3A_156 = vector.multi_reduction <minimumf>, %select_n3A_147, %reduce_min3A_155 [1] : vector<200x1024xf32> to vector<200xf32>
    %broadcast_in_dim3A_157 = vector.shape_cast %reduce_min3A_156 : vector<200xf32> to vector<200x1xf32>
    %reduce_max3A_158 = arith.constant dense<0xFF800000> : vector<200xf32>
    %reduce_max3A_159 = vector.multi_reduction <maximumf>, %select_n3A_154, %reduce_max3A_158 [1] : vector<200x1024xf32> to vector<200xf32>
    %broadcast_in_dim3A_160 = vector.shape_cast %reduce_max3A_159 : vector<200xf32> to vector<200x1xf32>
    %eq3A_161 = vector.broadcast %broadcast_in_dim3A_157 : vector<200x1xf32> to vector<200x1024xf32>
    %eq3A_162 = arith.cmpf oeq, %select_n3A_147, %eq3A_161 : vector<200x1024xf32>
    %jit3A_163 = arith.constant 1073741824 : i32
    %broadcast_in_dim3A_164 = vector.broadcast %jit3A_163 : i32 to vector<200x1024xi32>
    %select_n3A_165 = arith.select %eq3A_162, %iota3A, %broadcast_in_dim3A_164 : vector<200x1024xi1>, vector<200x1024xi32>
    %reduce_min3A_166 = arith.constant dense<2147483647> : vector<200xi32>
    %reduce_min3A_167 = vector.multi_reduction <minsi>, %select_n3A_165, %reduce_min3A_166 [1] : vector<200x1024xi32> to vector<200xi32>
    %broadcast_in_dim3A_168 = vector.shape_cast %reduce_min3A_167 : vector<200xi32> to vector<200x1xi32>
    %eq3A_169 = vector.broadcast %broadcast_in_dim3A_160 : vector<200x1xf32> to vector<200x1024xf32>
    %eq3A_170 = arith.cmpf oeq, %select_n3A_154, %eq3A_169 : vector<200x1024xf32>
    %jit3A_171 = arith.constant 1073741824 : i32
    %broadcast_in_dim3A_172 = vector.broadcast %jit3A_171 : i32 to vector<200x1024xi32>
    %select_n3A_173 = arith.select %eq3A_170, %iota3A, %broadcast_in_dim3A_172 : vector<200x1024xi1>, vector<200x1024xi32>
    %reduce_min3A_174 = arith.constant dense<2147483647> : vector<200xi32>
    %reduce_min3A_175 = vector.multi_reduction <minsi>, %select_n3A_173, %reduce_min3A_174 [1] : vector<200x1024xi32> to vector<200xi32>
    %broadcast_in_dim3A_176 = vector.shape_cast %reduce_min3A_175 : vector<200xi32> to vector<200x1xi32>
    %eq3A_177 = vector.broadcast %broadcast_in_dim3A_168 : vector<200x1xi32> to vector<200x1024xi32>
    %eq3A_178 = arith.cmpi eq, %iota3A, %eq3A_177 : vector<200x1024xi32>
    %jit3A_179 = arith.constant 0.000000e+00 : f32
    %broadcast_in_dim3A_180 = vector.broadcast %jit3A_179 : f32 to vector<200x1024xf32>
    %select_n3A_181 = arith.select %eq3A_178, %dot_general3A_27, %broadcast_in_dim3A_180 : vector<200x1024xi1>, vector<200x1024xf32>
    %reduce_sum3A_182 = arith.constant dense<0.000000e+00> : vector<200xf32>
    %reduce_sum3A_183 = vector.multi_reduction <add>, %select_n3A_181, %reduce_sum3A_182 [1] : vector<200x1024xf32> to vector<200xf32>
    %broadcast_in_dim3A_184 = vector.shape_cast %reduce_sum3A_183 : vector<200xf32> to vector<200x1xf32>
    %eq3A_185 = vector.broadcast %broadcast_in_dim3A_176 : vector<200x1xi32> to vector<200x1024xi32>
    %eq3A_186 = arith.cmpi eq, %iota3A, %eq3A_185 : vector<200x1024xi32>
    %jit3A_187 = arith.constant 0.000000e+00 : f32
    %broadcast_in_dim3A_188 = vector.broadcast %jit3A_187 : f32 to vector<200x1024xf32>
    %select_n3A_189 = arith.select %eq3A_186, %dot_general3A_27, %broadcast_in_dim3A_188 : vector<200x1024xi1>, vector<200x1024xf32>
    %reduce_sum3A_190 = arith.constant dense<0.000000e+00> : vector<200xf32>
    %reduce_sum3A_191 = vector.multi_reduction <add>, %select_n3A_189, %reduce_sum3A_190 [1] : vector<200x1024xf32> to vector<200xf32>
    %broadcast_in_dim3A_192 = vector.shape_cast %reduce_sum3A_191 : vector<200xf32> to vector<200x1xf32>
    %ne3A_193 = arith.constant 0x7F800000 : f32
    %ne3A_194 = vector.broadcast %ne3A_193 : f32 to vector<200x1xf32>
    %ne3A_195 = arith.cmpf one, %broadcast_in_dim3A_157, %ne3A_194 : vector<200x1xf32>
    %convert_element_type3A_196 = arith.extui %ne3A_195 : vector<200x1xi1> to vector<200x1xi32>
    %convert_element_type3A_197 = arith.sitofp %convert_element_type3A_196 : vector<200x1xi32> to vector<200x1xf32>
    %neg3A_198 = arith.constant 0.000000e+00 : f32
    %neg3A_199 = arith.constant 0x7F800000 : f32
    %neg3A_200 = arith.subf %neg3A_198, %neg3A_199 : f32
    %ne3A_201 = vector.broadcast %neg3A_200 : f32 to vector<200x1xf32>
    %ne3A_202 = arith.cmpf one, %broadcast_in_dim3A_160, %ne3A_201 : vector<200x1xf32>
    %convert_element_type3A_203 = arith.extui %ne3A_202 : vector<200x1xi1> to vector<200x1xi32>
    %convert_element_type3A_204 = arith.sitofp %convert_element_type3A_203 : vector<200x1xi32> to vector<200x1xf32>
    %mul3A_205 = arith.mulf %convert_element_type3A_197, %broadcast_in_dim3A_184 : vector<200x1xf32>
    %mul3A_206 = arith.mulf %convert_element_type3A_204, %broadcast_in_dim3A_192 : vector<200x1xf32>
    %sub3A_207 = arith.subf %mul3A_205, %mul3A_206 : vector<200x1xf32>
    %reduce_sum3A_208 = vector.shape_cast %sub3A_207 : vector<200x1xf32> to vector<1x200x1xf32>
    %reduce_sum3A_209 = arith.constant dense<0.000000e+00> : vector<1xf32>
    %reduce_sum3A_210 = vector.multi_reduction <add>, %reduce_sum3A_208, %reduce_sum3A_209 [1, 2] : vector<1x200x1xf32> to vector<1xf32>
    %reduce_sum3A_211 = vector.shape_cast %reduce_sum3A_210 : vector<1xf32> to vector<1x1x1xf32>
    %reduce_sum3A_212 = vector.extract %reduce_sum3A_211[0, 0, 0] : f32 from vector<1x1x1xf32>
    %neg3A_213 = arith.constant 0.000000e+00 : f32
    %neg3A_214 = arith.subf %neg3A_213, %reduce_sum3A_212 : f32
    %div3A_215 = arith.constant 2.000000e+02 : f32
    %div3A_216 = arith.divf %neg3A_214, %div3A_215 : f32
    %add3A_217 = arith.constant 5.000000e-01 : f32
    %add3A_218 = arith.addf %div3A_216, %add3A_217 : f32
    %max3A_219 = arith.constant 0.000000e+00 : f32
    %max3A_220 = arith.maximumf %add3A_218, %max3A_219 : f32
    %swap3A_221 = arith.constant 0 : index
    %swap3A_222 = memref.load %arg9[%swap3A_221] : memref<1xf32, #tpu.memory_space<smem>>
    memref.store %max3A_220, %arg9[%swap3A_221] : memref<1xf32, #tpu.memory_space<smem>>
    return
  }
}

</mosaic_0001>

<sc_bundles>
// kernel: kernel.4.cloned.1.call-start
scs
__scs_entry_jumppad:
0x0: {  	(pc) =	sbr.rel $0x88, $3  }
0x1: {  	(tag) =	ssettag $0x0;
	lr =	simm.s32 $0x1  }
0x2: {  	[smem:$0x3F9A] =	sst lr;
	_ =	strace $0xD0000000  }
0x3: {  	_ = 	snop  }
0x4: {  	_ = 	snop  }
0x5: {  	_ = 	snop  }
0x6: {  	_ = 	snop  }
0x7: {  	_ = 	snop  }
__scs_overlays_trampoline_lowered:
0x8: {  	[smem:$0x3FA9] =	sst s0  }
0x9: {  	[smem:$0x3FAA] =	sst s1  }
0xa: {  	[smem:$0x3FAB] =	sst s2  }
0xb: {  	[smem:$0x3FAC] =	sst s3  }
0xc: {  	[smem:$0x3FAD] =	sst s4  }
0xd: {  	[smem:$0x3FAE] =	sst s5  }
0xe: {  	[smem:$0x3FAF] =	sst s6  }
0xf: {  	[smem:$0x3FB0] =	sst s7  }
0x10: {  	[smem:$0x3FB1] =	sst s8  }
0x11: {  	[smem:$0x3FB2] =	sst s9;
	s0 =	simm.s32 @!p0 $0x0  }
0x12: {  	s1 =	sld [smem:$0x3F98];
	s0 =	simm.s32 @p0 $0x1  }
0x13: {  	[smem:$0x3FB3] =	sst s0;
	s0 =	simm.s32 @!p1 $0x0  }
0x14: {  	s2 =	sld [smem:$0x3F97];
	s0 =	simm.s32 @p1 $0x1  }
0x15: {  	[smem:$0x3FB4] =	sst s0;
	s0 =	simm.s32 @!p2 $0x0  }
0x16: {  	s3 =	sld [smem:$0x3FDB];
	s0 =	simm.s32 @p2 $0x1  }
0x17: {  	s4 =	simm.s32 $0x1BF5;
	[smem:$0x3FB6] =	sst s0  }
0x18: {  	s0 =	sld [smem:$0x3F99];
	_ =	swait.ge [sflag:s4], $0x0  }
0x19: {  	s7 =	sld [smem:$0x3F9A]  }
0x1a: {  	s8 =	sadd.s32 $0xFFFFE003, lr  }
0x1b: {  	s9 =	sadd.s32 $0xFFFFFEF7, lr;
	s5 =	simm.s32 $0xFFFFFFFF;
	p2 =	slt.u32 s8, $0xFFFFF086  }
0x1c: {  	p1 =	slt.u32 s9, $0xF7A;
	s5 =	simm.s32 @!p2 $0x0  }
0x1d: {  	s5 =	simm.s32 @p1 $0x1;
	p0 =	seq.s32 s7, s2  }
0x1e: {  	s7 =	smul.u32 @!p0 $0xF7A, s2;
	p2 =	seq.s32 @!p0 s5, $0x0  }
0x1f: {  	s9 =	smul.u32 $0xF7A, s1;
	s8 =	simm.s32 @!p0 $0x1BF5;
	p2 =	por !p2, p0  }
0x20: {  	[sflag:s8] =	ssyncset.s32 @!p0 $0xFFFFF086;
	s6 =	sadd.s32 @!p0 s3, s7;
	s7 =	simm.s32 @!p0 $0x108  }
0x21: {  	s3 =	sadd.s32 s3, s9;
	s6 =	sadd.s32 @!p0 $0x88, s6;
	s7 =	simm.s32 @p2 $0x1082  }
0x22: {  	[simem:s7], [sflag:s8] =	dma.local @!p0 [hbm:s6], $0xF7A  }
0x23: {  	s9 =	sor.u32 $0xD0000000, s2;
	s6 =	simm.s32 $0x108;
	_ =	swait.ge @!p0 [sflag:s8], $0x0  }
0x24: {  	s3 =	sadd.s32 $0x88, s3;
	s6 =	simm.s32 @!p1 $0x1082;
	[sflag:s4] =	ssyncset.s32 $0xFFFFF086  }
0x25: {  	[simem:s6], [sflag:s4] =	dma.local [hbm:s3], $0xF7A  }
0x26: {  	[smem:$0x3F9A] =	sst s1;
	(tag) =	ssettag s2;
	_ =	strace s9  }
0x27: {  	s1 =	sld [smem:$0x3FAA]  }
0x28: {  	s2 =	sld [smem:$0x3FAB]  }
0x29: {  	s4 =	sld [smem:$0x3FAD]  }
0x2a: {  	p0 =	seq.s32 s5, $0x0;
	s5 =	sld [smem:$0x3FAE]  }
0x2b: {  	s6 =	sld [smem:$0x3FAF]  }
0x2c: {  	s7 =	sld [smem:$0x3FB0]  }
0x2d: {  	s3 =	simm.s32 $0x108;
	s8 =	sld [smem:$0x3FB1]  }
0x2e: {  	s3 =	simm.s32 @!p0 $0x1082;
	s9 =	sld [smem:$0x3FB2]  }
0x2f: {  	lr =	sadd.s32 s0, s3;
	s0 =	sld [smem:$0x3FA9]  }
0x30: {  	s3 =	sld [smem:$0x3FAC]  }
0x31: {  	[smem:$0x3FB5] =	sst s10  }
0x32: {  	s10 =	sld [smem:$0x3FB3];
	_ =	sdelay $0x3  }
0x33: {  	p0 =	seq.s32 s10, $0x1;
	s10 =	sld [smem:$0x3FB5];
	_ =	sdelay $0x3  }
0x34: {  	[smem:$0x3FB5] =	sst s10  }
0x35: {  	s10 =	sld [smem:$0x3FB4];
	_ =	sdelay $0x3  }
0x36: {  	p1 =	seq.s32 s10, $0x1;
	s10 =	sld [smem:$0x3FB5];
	_ =	sdelay $0x3  }
0x37: {  	[smem:$0x3FB5] =	sst s10  }
0x38: {  	s10 =	sld [smem:$0x3FB6]  }
0x39: {  	_ = 	snop;
	(pc) =	sbr.ind lr, $3  }
0x3a: {  	_ = 	snop  }
0x3b: {  	_ = 	snop  }
0x3c: {  	p2 =	seq.s32 s10, $0x1;
	s10 =	sld [smem:$0x3FB5]  }
0x3d: {  	_ =	shalt  }
0x3e: {  	_ =	shalt  }
0x3f: {  	_ =	shalt  }
0x40: {  	_ =	shalt  }
0x41: {  	_ =	shalt  }
0x42: {  	_ =	shalt  }
0x43: {  	_ =	shalt  }
0x44: {  	_ =	shalt  }
0x45: {  	_ =	shalt  }
0x46: {  	_ =	shalt  }
0x47: {  	_ =	shalt  }
0x48: {  	_ =	shalt  }
0x49: {  	_ =	shalt  }
0x4a: {  	_ =	shalt  }
0x4b: {  	_ =	shalt  }
0x4c: {  	_ =	shalt  }
0x4d: {  	_ =	shalt  }
0x4e: {  	_ =	shalt  }
0x4f: {  	_ =	shalt  }
0x50: {  	_ =	shalt  }
0x51: {  	_ =	shalt  }
0x52: {  	_ =	shalt  }
0x53: {  	_ =	shalt  }
0x54: {  	_ =	shalt  }
0x55: {  	_ =	shalt  }
0x56: {  	_ =	shalt  }
0x57: {  	_ =	shalt  }
0x58: {  	_ =	shalt  }
0x59: {  	_ =	shalt  }
0x5a: {  	_ =	shalt  }
0x5b: {  	_ =	shalt  }
0x5c: {  	_ =	shalt  }
0x5d: {  	_ =	shalt  }
0x5e: {  	_ =	shalt  }
0x5f: {  	_ =	shalt  }
0x60: {  	_ =	shalt  }
0x61: {  	_ =	shalt  }
0x62: {  	_ =	shalt  }
0x63: {  	_ =	shalt  }
0x64: {  	_ =	shalt  }
0x65: {  	_ =	shalt  }
0x66: {  	_ =	shalt  }
0x67: {  	_ =	shalt  }
0x68: {  	_ =	shalt  }
0x69: {  	_ =	shalt  }
0x6a: {  	_ =	shalt  }
0x6b: {  	_ =	shalt  }
0x6c: {  	_ =	shalt  }
0x6d: {  	_ =	shalt  }
0x6e: {  	_ =	shalt  }
0x6f: {  	_ =	shalt  }
0x70: {  	_ =	shalt  }
0x71: {  	_ =	shalt  }
0x72: {  	_ =	shalt  }
0x73: {  	_ =	shalt  }
0x74: {  	_ =	shalt  }
0x75: {  	_ =	shalt  }
0x76: {  	_ =	shalt  }
0x77: {  	_ =	shalt  }
0x78: {  	_ =	shalt  }
0x79: {  	_ =	shalt  }
0x7a: {  	_ =	shalt  }
0x7b: {  	_ =	shalt  }
0x7c: {  	_ =	shalt  }
0x7d: {  	_ =	shalt  }
0x7e: {  	_ =	shalt  }
0x7f: {  	_ =	shalt  }
0x80: {  	_ =	shalt  }
0x81: {  	_ =	shalt  }
0x82: {  	_ =	shalt  }
0x83: {  	_ =	shalt  }
0x84: {  	_ =	shalt  }
0x85: {  	_ =	shalt  }
0x86: {  	_ =	shalt  }
0x87: {  	_ =	shalt  }
.Lfunc_end0:
.L_simem_size_0:
called_computation_lowered:
.L_overlay_start_0:
0x88: {  	s2 =	sld [smem:$0x3FD9]  }
0x89: {  	s3 =	sld [smem:$0x3FFE];
	_ =	sdelay $0x1  }
0x8a: {  	s1 =	srdreg.scid  }
0x8b: {  	s0 =	sand.u32 $0x1, s1  }
0x8c: {  	s16 =	sshll.u32 s0, $0xA;
	s2 =	sadd.s32 s3, s2  }
0x8d: {  	s2 =	sadd.s32 s2, s16  }
0x8e: {  	[smem:$0x3FC1] =	sst s2  }
0x8f: {  	_ = 	snop  }
0x90: {  	(tm) =	ssettm $0x1  }
0x91: {  	s17 =	sld [smem:$0x3FFB];
	_ =	sdelay $0x3  }
0x92: {  	_ =	strace s17  }
0x93: {  	s2 =	sld [smem:$0x3FFC];
	_ =	sdelay $0x3  }
0x94: {  	_ =	strace s2  }
0x95: {  	s2 =	sld [smem:$0x3FFD];
	_ =	sdelay $0x3  }
0x96: {  	_ =	strace s2  }
0x97: {  	_ =	strace $0x8FFFFFFF  }
0x98: {  	s18 =	sld [smem:$0x3FDB];
	_ =	sdelay $0x1  }
0x99: {  	s19 =	simm.s32 $_scs_section_size  }
0x9a: {  	s4 =	simm.s32 $_size__tile_overlayer_lowered;
	s5 =	simm.s32 $_tile_overlayer_lowered  }
0x9b: {  	s22 =	simm.s32 $0x1BFF;
	s21 =	sshll.u32 s5, $0x1;
	s2 =	sadd.s32 s19, s18  }
0x9c: {  	s6 =	simm.s32 $0x0;
	s20 =	sshll.u32 s4, $0x1;
	s4 =	sadd.s32 s21, s2  }
0x9d: {  	[timem:s6], [sflag:s22] =	dma.local [hbm:s4], s20  }
0x9e: {  	_ =	swait.ge [sflag:s22], s20  }
0x9f: {  	s3 =	ssub.s32 $0x0, s20;
	[sflag:s22] =	ssyncset.done $0x0  }
0xa0: {  	[sflag:s22] =	ssyncadd.s32 s3;
	_ =	sdelay $0x1  }
0xa1: {  	s23 =	simm.s32 $0x1B8B  }
0xa2: {  	_ =	swait.ge [sflag:s23], $0x1  }
0xa3: {  	[sflag:s23] =	ssyncset.done $0x0  }
0xa4: {  	s25 =	simm.s32 $0x1B8E;
	s24 =	sld [smem:$0x3FFE];
	[sflag:s23] =	ssyncadd.s32 $0xFFFFFFFF  }
0xa5: {  	s26 =	simm.s32 $execute0_lowered;
	[smem:$0x3FD2] =	sst s25  }
0xa6: {  	s4 =	sshll.u32 s26, $0x1;
	_ =	strace $0x80000046;
	[dreg:$0x1] =	wrdreg $0xFFFFFFFF  }
0xa7: {  	s28 =	simm.s32 $_size_execute0_lowered;
	s2 =	sadd.s32 s2, s4;
	[dreg:$0x0] =	wrdreg $0x0  }
0xa8: {  	s4 =	sshll.u32 s28, $0x1;
	[dreg:$0x2] =	wrdreg s2  }
0xa9: {  	[dreg:$0x3] =	wrdreg s4  }
0xaa: {  	[dreg:$0x4] =	wrdreg $0xC0  }
0xab: {  	_ =	task [dreg:s6], $0x5FFFF  }
0xac: {  	[dreg:$0x1] =	wrdreg $0xFFFFFFFF  }
0xad: {  	[dreg:$0x0] =	wrdreg $0x60  }
0xae: {  	[dreg:$0x2] =	wrdreg s24  }
0xaf: {  	[dreg:$0x3] =	wrdreg $0x9  }
0xb0: {  	_ =	task.clear_ibuf [dreg:s6], $0x4FFFF;
	_ =	strace $0x90000046  }
0xb1: {  	s29 =	simm.s32 $0x9;
	_ =	strace $0x80000048  }
0xb2: {  	_ =	swait.ge [sflag:s29], $0x1  }
0xb3: {  	[sflag:s29] =	ssyncadd.s32 $0xFFFFFFFF  }
0xb4: {  	_ =	strace $0x90000048  }
0xb5: {  	_ =	sfence  }
0xb6: {  	s30 =	sld [smem:$0x0];
	_ =	sdelay $0x2  }
0xb7: {  	s31 =	sshll.u32 s1, $0xD;
	s1 =	sshrl.u32 s1, $0x2  }
0xb8: {  	s3 =	sand.u32 $0x4000, s31;
	s1 =	sadd.s32 s1, s30  }
0xb9: {  	s0 =	sor.u32 s3, s0;
	s1 =	sshll.u32 s1, $0x11  }
0xba: {  	s0 =	sor.u32 s1, s0  }
0xbb: {  	s0 =	sadd.s32 $0x8F2B, s0  }
0xbc: {  	[sflag:s0] =	ssyncadd.remote.s32 $0x1  }
0xbd: {  	_ =	sfence.sel $0xFFFF  }
0xbe: {  	[dreg:$0x0] =	wrdreg $0xFFFFFFFF;
	(pc) =	sbr.abs _section_cstart, $3  }
0xbf: {  	[dreg:$0x1] =	wrdreg $0xFFFFFFFF  }
0xc0: {  	_ =	task.clear_ibuf [dreg:s6], $0x2FFFF;
	_ =	strace $0x9FFFFFFF  }
0xc1: {  	(tm) =	ssettm $0x7FFFFFFF  }
tec
execute0_lowered:
.L_overlay_start_1:
0x0: {  	(tag) =	ssettag $0x1  }
0x1: {  	s3 =	rddreg [dreg:$0x0]  }
0x2: {  	s0 =	rddreg [dreg:$0x1];
	s2 =	simm.s32 $0x0;
	s4 =	srdreg.scid  }
0x3: {  	s1 =	stileid.u32;
	s8 =	simm.s32 $0x2000;
	s9 =	simm.s32 $0x4000  }
0x4: {  	[smem:$0x7FF] =	sst s2;
	s4 =	sand.u32 $0x1, s4;
	s5 =	sshll.u32 s1, $0x1  }
0x5: {  	s10 =	simm.s32 $0x0;
	_ =	strace $0x80000047;
	s5 =	sor.u32 s4, s5  }
0x6: {  	s4 =	ssub.s32 $0x2, s4;
	s6 =	sshll.u32 s5, $0xA;
	s5 =	sshll.u32 s5, $0x4  }
0x7: {  	s31 =	sshrl.u32 s4, $0x1;
	s6 =	sadd.s32 s6, s3;
	s5 =	sadd.s32 s5, s3  }
0x8: {  	s7 =	ssub.s32 s4, s31;
	s3 =	sadd.s32 $0xE00, s6;
	s4 =	sadd.s32 $0x8E00, s6  }
0x9: {  	s5 =	sadd.s32 $0x10E00, s5;
	s6 =	smax.u32 s7, $0x1;
	s7 =	simm.s32 $0x1  }
.LBB2_1:
0xa: {  	[tilespmem:s2], [sflag:$0x1] =	stream.linear.gather [hbm4b:s3+s2], $0x2000, $0x38;
	[tilespmem:$0x4080] =	vst v63  }
0xb: {  	_ =	swait.ge [sflag:s7], $0x2000  }
0xc: {  	[sflag:s7] =	ssyncset.done $0x0  }
0xd: {  	[sflag:s7] =	ssyncadd.s32 $0xFFFFE000  }
0xe: {  	[tilespmem:s8], [sflag:$0x1] =	stream.linear.gather [hbm4b:s4+s2], $0x2000, $0x38;
	[tilespmem:$0x4080] =	vst v63  }
0xf: {  	_ =	swait.ge [sflag:s7], $0x2000  }
0x10: {  	s11 =	sand.u32 $0x70, s2;
	s12 =	sand.u32 $0x1C00, s2;
	[sflag:s7] =	ssyncset.done $0x0  }
0x11: {  	s11 =	sor.u32 s11, s12;
	[sflag:s7] =	ssyncadd.s32 $0xFFFFE000  }
0x12: {  	v0 =	vld [tilespmem:s11+$0x0]  }
0x13: {  	v1 =	vld [tilespmem:s11+$0x2000];
	_ =	sdelay $0x1  }
0x14: {  	s30 =	simm.s32 $0x80;
	s31 =	simm.s32 $0x10  }
0x15: {  	s12 =	sand.u32 $0x70, s31;
	s11 =	sand.u32 $0x1C00, s30  }
0x16: {  	s12 =	sor.u32 s12, s11  }
0x17: {  	v2 =	vld [tilespmem:s12+$0x2000];
	v3 =	vsub.f32 v1, v0  }
0x18: {  	v1 =	vld [tilespmem:s12+$0x0]  }
0x19: {  	v3 =	vmul.f32 v3, v3  }
0x1a: {  	s11 =	simm.s32 $0x100;
	v0 =	vimm.f32 $0.0e+00;
	s12 =	simm.s32 $0x20  }
.LBB2_2:
0x1b: {  	s13 =	sand.u32 $0x70, s12;
	s14 =	sand.u32 $0x1C00, s11;
	v0 =	vadd.f32 v3, v0;
	p0 =	sne.s32 s11, $0x1F80  }
.Ltmp0:
0x1c: {  	s11 =	sadd.s32 $0x80, s11;
	s13 =	sor.u32 s13, s14;
	(pc) =	sbr.rel @p0 .LBB2_2-.Ltmp0, $4  }
0x1d: {  	v3 =	vsub.f32 v2, v1;
	v1 =	vld [tilespmem:s13+$0x0]  }
0x1e: {  	v2 =	vld [tilespmem:s13+$0x2000]  }
0x1f: {  	v3 =	vmul.f32 v3, v3  }
0x20: {  	s12 =	sadd.s32 $0x10, s12  }
0x21: {  	s11 =	simm.s32 $0x0  }
0x22: {  	s12 =	sand.u32 $0x70, s11;
	s11 =	sand.u32 $0x1C00, s11  }
0x23: {  	s11 =	sor.u32 s12, s11  }
0x24: {  	v4 =	vld [tilespmem:s11+$0x80]  }
0x25: {  	v5 =	vld [tilespmem:s11+$0x2080];
	_ =	sdelay $0x1  }
0x26: {  	s31 =	simm.s32 $0x80;
	s13 =	simm.s32 $0x10;
	v1 =	vsub.f32 v2, v1  }
0x27: {  	s13 =	sand.u32 $0x70, s13;
	s12 =	sand.u32 $0x1C00, s31  }
0x28: {  	v0 =	vadd.f32 v3, v0;
	s12 =	sor.u32 s13, s12;
	v2 =	vmul.f32 v1, v1  }
0x29: {  	v1 =	vld [tilespmem:s12+$0x80];
	v3 =	vsub.f32 v5, v4  }
0x2a: {  	v0 =	vadd.f32 v2, v0;
	v2 =	vld [tilespmem:s12+$0x2080]  }
0x2b: {  	v3 =	vmul.f32 v3, v3  }
0x2c: {  	s14 =	simm.s32 $0x20;
	s13 =	simm.s32 $0x100  }
.LBB2_4:
0x2d: {  	s15 =	sand.u32 $0x70, s14;
	s16 =	sand.u32 $0x1C00, s13;
	v0 =	vadd.f32 v3, v0;
	p0 =	sne.s32 s13, $0x1F80  }
.Ltmp1:
0x2e: {  	s13 =	sadd.s32 $0x80, s13;
	s15 =	sor.u32 s15, s16;
	(pc) =	sbr.rel @p0 .LBB2_4-.Ltmp1, $4  }
0x2f: {  	v3 =	vsub.f32 v2, v1;
	v1 =	vld [tilespmem:s15+$0x80]  }
0x30: {  	v2 =	vld [tilespmem:s15+$0x2080]  }
0x31: {  	v3 =	vmul.f32 v3, v3  }
0x32: {  	s14 =	sadd.s32 $0x10, s14  }
0x33: {  	v4 =	vld [tilespmem:s11+$0x100]  }
0x34: {  	v5 =	vld [tilespmem:s11+$0x2100];
	_ =	sdelay $0x1  }
0x35: {  	v1 =	vsub.f32 v2, v1;
	_ =	sdelay $0x1  }
0x36: {  	v0 =	vadd.f32 v3, v0;
	v2 =	vmul.f32 v1, v1  }
0x37: {  	v1 =	vld [tilespmem:s12+$0x100];
	v3 =	vsub.f32 v5, v4  }
0x38: {  	v0 =	vadd.f32 v2, v0;
	v2 =	vld [tilespmem:s12+$0x2100]  }
0x39: {  	v3 =	vmul.f32 v3, v3  }
0x3a: {  	s11 =	simm.s32 $0x100;
	s12 =	simm.s32 $0x20  }
.LBB2_6:
0x3b: {  	s13 =	sand.u32 $0x70, s12;
	s14 =	sand.u32 $0x1C00, s11;
	v0 =	vadd.f32 v3, v0;
	p0 =	sne.s32 s11, $0x1F80  }
.Ltmp2:
0x3c: {  	s11 =	sadd.s32 $0x80, s11;
	s13 =	sor.u32 s13, s14;
	(pc) =	sbr.rel @p0 .LBB2_6-.Ltmp2, $4  }
0x3d: {  	v3 =	vsub.f32 v2, v1;
	v1 =	vld [tilespmem:s13+$0x100]  }
0x3e: {  	v2 =	vld [tilespmem:s13+$0x2100]  }
0x3f: {  	v3 =	vmul.f32 v3, v3  }
0x40: {  	s12 =	sadd.s32 $0x10, s12  }
0x41: {  	s11 =	simm.s32 $0x0  }
0x42: {  	s12 =	sand.u32 $0x70, s11;
	s11 =	sand.u32 $0x1C00, s11  }
0x43: {  	s11 =	sor.u32 s12, s11  }
0x44: {  	v4 =	vld [tilespmem:s11+$0x180]  }
0x45: {  	v5 =	vld [tilespmem:s11+$0x2180];
	_ =	sdelay $0x1  }
0x46: {  	s31 =	simm.s32 $0x80;
	s13 =	simm.s32 $0x10;
	v1 =	vsub.f32 v2, v1  }
0x47: {  	s13 =	sand.u32 $0x70, s13;
	s12 =	sand.u32 $0x1C00, s31  }
0x48: {  	v0 =	vadd.f32 v3, v0;
	s12 =	sor.u32 s13, s12;
	v2 =	vmul.f32 v1, v1  }
0x49: {  	v1 =	vld [tilespmem:s12+$0x180];
	v3 =	vsub.f32 v5, v4  }
0x4a: {  	v0 =	vadd.f32 v2, v0;
	v2 =	vld [tilespmem:s12+$0x2180]  }
0x4b: {  	v3 =	vmul.f32 v3, v3  }
0x4c: {  	s14 =	simm.s32 $0x20;
	s13 =	simm.s32 $0x100  }
.LBB2_8:
0x4d: {  	s15 =	sand.u32 $0x70, s14;
	s16 =	sand.u32 $0x1C00, s13;
	v0 =	vadd.f32 v3, v0;
	p0 =	sne.s32 s13, $0x1F80  }
.Ltmp3:
0x4e: {  	s13 =	sadd.s32 $0x80, s13;
	s15 =	sor.u32 s15, s16;
	(pc) =	sbr.rel @p0 .LBB2_8-.Ltmp3, $4  }
0x4f: {  	v3 =	vsub.f32 v2, v1;
	v1 =	vld [tilespmem:s15+$0x180]  }
0x50: {  	v2 =	vld [tilespmem:s15+$0x2180]  }
0x51: {  	v3 =	vmul.f32 v3, v3  }
0x52: {  	s14 =	sadd.s32 $0x10, s14  }
0x53: {  	v4 =	vld [tilespmem:s11+$0x200]  }
0x54: {  	v5 =	vld [tilespmem:s11+$0x2200];
	_ =	sdelay $0x1  }
0x55: {  	v1 =	vsub.f32 v2, v1;
	_ =	sdelay $0x1  }
0x56: {  	v0 =	vadd.f32 v3, v0;
	v2 =	vmul.f32 v1, v1  }
0x57: {  	v1 =	vld [tilespmem:s12+$0x200];
	v3 =	vsub.f32 v5, v4  }
0x58: {  	v0 =	vadd.f32 v2, v0;
	v2 =	vld [tilespmem:s12+$0x2200]  }
0x59: {  	v3 =	vmul.f32 v3, v3  }
0x5a: {  	s11 =	simm.s32 $0x100;
	s12 =	simm.s32 $0x20  }
.LBB2_10:
0x5b: {  	s13 =	sand.u32 $0x70, s12;
	s14 =	sand.u32 $0x1C00, s11;
	v0 =	vadd.f32 v3, v0;
	p0 =	sne.s32 s11, $0x1F80  }
.Ltmp4:
0x5c: {  	s11 =	sadd.s32 $0x80, s11;
	s13 =	sor.u32 s13, s14;
	(pc) =	sbr.rel @p0 .LBB2_10-.Ltmp4, $4  }
0x5d: {  	v3 =	vsub.f32 v2, v1;
	v1 =	vld [tilespmem:s13+$0x200]  }
0x5e: {  	v2 =	vld [tilespmem:s13+$0x2200]  }
0x5f: {  	v3 =	vmul.f32 v3, v3  }
0x60: {  	s12 =	sadd.s32 $0x10, s12  }
0x61: {  	s11 =	simm.s32 $0x0  }
0x62: {  	s12 =	sand.u32 $0x70, s11;
	s11 =	sand.u32 $0x1C00, s11  }
0x63: {  	s11 =	sor.u32 s12, s11  }
0x64: {  	v4 =	vld [tilespmem:s11+$0x280]  }
0x65: {  	v5 =	vld [tilespmem:s11+$0x2280];
	_ =	sdelay $0x1  }
0x66: {  	s31 =	simm.s32 $0x80;
	s13 =	simm.s32 $0x10;
	v1 =	vsub.f32 v2, v1  }
0x67: {  	s13 =	sand.u32 $0x70, s13;
	s12 =	sand.u32 $0x1C00, s31  }
0x68: {  	v0 =	vadd.f32 v3, v0;
	s12 =	sor.u32 s13, s12;
	v2 =	vmul.f32 v1, v1  }
0x69: {  	v1 =	vld [tilespmem:s12+$0x280];
	v3 =	vsub.f32 v5, v4  }
0x6a: {  	v0 =	vadd.f32 v2, v0;
	v2 =	vld [tilespmem:s12+$0x2280]  }
0x6b: {  	v3 =	vmul.f32 v3, v3  }
0x6c: {  	s14 =	simm.s32 $0x20;
	s13 =	simm.s32 $0x100  }
.LBB2_12:
0x6d: {  	s15 =	sand.u32 $0x70, s14;
	s16 =	sand.u32 $0x1C00, s13;
	v0 =	vadd.f32 v3, v0;
	p0 =	sne.s32 s13, $0x1F80  }
.Ltmp5:
0x6e: {  	s13 =	sadd.s32 $0x80, s13;
	s15 =	sor.u32 s15, s16;
	(pc) =	sbr.rel @p0 .LBB2_12-.Ltmp5, $4  }
0x6f: {  	v3 =	vsub.f32 v2, v1;
	v1 =	vld [tilespmem:s15+$0x280]  }
0x70: {  	v2 =	vld [tilespmem:s15+$0x2280]  }
0x71: {  	v3 =	vmul.f32 v3, v3  }
0x72: {  	s14 =	sadd.s32 $0x10, s14  }
0x73: {  	v4 =	vld [tilespmem:s11+$0x300]  }
0x74: {  	v5 =	vld [tilespmem:s11+$0x2300];
	_ =	sdelay $0x1  }
0x75: {  	v1 =	vsub.f32 v2, v1;
	_ =	sdelay $0x1  }
0x76: {  	v0 =	vadd.f32 v3, v0;
	v2 =	vmul.f32 v1, v1  }
0x77: {  	v1 =	vld [tilespmem:s12+$0x300];
	v3 =	vsub.f32 v5, v4  }
0x78: {  	v0 =	vadd.f32 v2, v0;
	v2 =	vld [tilespmem:s12+$0x2300]  }
0x79: {  	v3 =	vmul.f32 v3, v3  }
0x7a: {  	s11 =	simm.s32 $0x100;
	s12 =	simm.s32 $0x20  }
.LBB2_14:
0x7b: {  	s13 =	sand.u32 $0x70, s12;
	s14 =	sand.u32 $0x1C00, s11;
	v0 =	vadd.f32 v3, v0;
	p0 =	sne.s32 s11, $0x1F80  }
.Ltmp6:
0x7c: {  	s11 =	sadd.s32 $0x80, s11;
	s13 =	sor.u32 s13, s14;
	(pc) =	sbr.rel @p0 .LBB2_14-.Ltmp6, $4  }
0x7d: {  	v3 =	vsub.f32 v2, v1;
	v1 =	vld [tilespmem:s13+$0x300]  }
0x7e: {  	v2 =	vld [tilespmem:s13+$0x2300]  }
0x7f: {  	v3 =	vmul.f32 v3, v3  }
0x80: {  	s12 =	sadd.s32 $0x10, s12  }
0x81: {  	s11 =	simm.s32 $0x0  }
0x82: {  	s12 =	sand.u32 $0x70, s11;
	s11 =	sand.u32 $0x1C00, s11  }
0x83: {  	s11 =	sor.u32 s12, s11  }
0x84: {  	v4 =	vld [tilespmem:s11+$0x380]  }
0x85: {  	v5 =	vld [tilespmem:s11+$0x2380];
	_ =	sdelay $0x1  }
0x86: {  	s30 =	simm.s32 $0x80;
	s31 =	simm.s32 $0x10;
	v1 =	vsub.f32 v2, v1  }
0x87: {  	s12 =	sand.u32 $0x70, s31;
	s11 =	sand.u32 $0x1C00, s30  }
0x88: {  	v0 =	vadd.f32 v3, v0;
	v2 =	vmul.f32 v1, v1;
	s12 =	sor.u32 s12, s11  }
0x89: {  	v1 =	vld [tilespmem:s12+$0x380];
	v3 =	vsub.f32 v5, v4  }
0x8a: {  	v0 =	vadd.f32 v2, v0;
	v2 =	vld [tilespmem:s12+$0x2380]  }
0x8b: {  	v3 =	vmul.f32 v3, v3  }
0x8c: {  	s11 =	simm.s32 $0x100;
	s12 =	simm.s32 $0x20  }
.LBB2_16:
0x8d: {  	s13 =	sand.u32 $0x70, s12;
	s14 =	sand.u32 $0x1C00, s11;
	v0 =	vadd.f32 v3, v0;
	p0 =	sne.s32 s11, $0x1F80  }
.Ltmp7:
0x8e: {  	s11 =	sadd.s32 $0x80, s11;
	s13 =	sor.u32 s13, s14;
	(pc) =	sbr.rel @p0 .LBB2_16-.Ltmp7, $4  }
0x8f: {  	v3 =	vsub.f32 v2, v1;
	v1 =	vld [tilespmem:s13+$0x380]  }
0x90: {  	v2 =	vld [tilespmem:s13+$0x2380]  }
0x91: {  	v3 =	vmul.f32 v3, v3  }
0x92: {  	s12 =	sadd.s32 $0x10, s12  }
0x93: {  	_ =	sdelay $0x1  }
0x94: {  	v1 =	vsub.f32 v2, v1;
	_ =	sdelay $0x1  }
0x95: {  	v0 =	vadd.f32 v3, v0;
	v1 =	vmul.f32 v1, v1;
	_ =	sdelay $0x1  }
0x96: {  	s10 =	sadd.s32 $0x1, s10;
	v0 =	vadd.f32 v1, v0  }
0x97: {  	p0 =	sne.s32 s10, s6  }
.Ltmp8:
0x98: {  	[tilespmem:$0x4000] =	vst v0;
	(pc) =	sbr.rel @p0 .LBB2_1-.Ltmp8, $4  }
0x99: {  	[hbm4b:s5+s2] =	stream.linear.scatter [tilespmem:s9], [sflag:$0x1], $0x80, $0x38;
	[tilespmem:$0x4080] =	vst v63  }
0x9a: {  	_ =	swait.ge [sflag:s7], $0x80  }
0x9b: {  	[sflag:s7] =	ssyncset.done $0x0  }
0x9c: {  	[sflag:s7] =	ssyncadd.s32 $0xFFFFFF80  }
0x9d: {  	_ =	sfence.sel $0x180000  }
0x9e: {  	[bflag:$0x0] =	sbarrier.arrive $0xFFFF  }
0x9f: {  	p0 =	sne.s32 s1, $0x0;
	_ =	strace $0x90000047  }
0xa0: {  	s0 =	sadd.s32 @!p0 $0x100000, s0;
	[bflag:$0x2] =	sbarrier.arrive $0xFFFF  }
0xa1: {  	[sflag:s0] =	ssyncadd.tile.s32 @!p0 $0x1;
	_ =	shalt  }
.Lfunc_end2:
_tile_overlayer_lowered:
.L_overlay_start_2:
0xa2: {  	(tag) =	ssettag $0x2  }
0xa3: {  	s0 =	rddreg [dreg:$0x0];
	s2 =	stileid.u32  }
0xa4: {  	s1 =	rddreg [dreg:$0x1];
	p0 =	sne.s32 s2, $0x0  }
0xa5: {  	s3 =	rddreg [dreg:$0x2];
	[bflag:$0x3] =	sbarrier.arrive $0xFFFF;
	s2 =	simm.s32 @!p0 $0x1C01  }
0xa6: {  	[timem:s3], [sflag:s2] =	dma.local @!p0 [hbm:s0], s1  }
0xa7: {  	s0 =	simm.s32 @!p0 $0x1  }
0xa8: {  	_ =	swait.ge @!p0 [sflag:s0], s1  }
0xa9: {  	s1 =	ssub.s32 @!p0 $0x0, s1;
	[sflag:s0] =	ssyncset.done @!p0 $0x0  }
0xaa: {  	[sflag:s0] =	ssyncadd.s32 @!p0 s1  }
0xab: {  	[bflag:$0x3] =	sbarrier.arrive $0xFFFF  }
0xac: {  	_ =	shalt  }

</sc_bundles>
